<compile_context>
chip_gen: v7x
topology: tpu7x:2x2x1
jax: 0.10.2.dev20260603
libtpu: 0.0.44.dev20260713+nightly
codegen_flags: <defaults>
</compile_context>

<pallas_src>
import functools

import jax
import jax.numpy as jnp
from jax.experimental import pallas as pl
from jax.experimental.pallas import tpu as pltpu
from jax.experimental.pallas import tpu_sc as plsc

_VOCAB = 100000
_EMBED_DIM = 128
_N_ROWS = 64
_STRIDE = 1562


def _sc_gather(x):
    mesh = plsc.ScalarSubcoreMesh(axis_name="c", num_cores=1)

    @functools.partial(
        pl.kernel,
        mesh=mesh,
        out_type=jax.ShapeDtypeStruct((_N_ROWS, _EMBED_DIM), jnp.float32),
        scratch_types=[
            pltpu.VMEM_SHARED((8, 8, _EMBED_DIM), jnp.float32),
            pltpu.SemaphoreType.DMA,
        ],
    )
    def k(x_hbm, out_hbm, sp, sem):
        x3 = x_hbm.at[pl.ds(0, _N_ROWS * _STRIDE)].reshape(
            8, 8 * _STRIDE, _EMBED_DIM
        )
        copies = [
            pltpu.async_copy(
                x3.at[:, pl.ds(r * _STRIDE, 1), :],
                sp.at[:, pl.ds(r, 1), :],
                sem,
            )
            for r in range(8)
        ]
        for c in copies:
            c.wait()
        pltpu.sync_copy(sp.reshape(_N_ROWS, _EMBED_DIM), out_hbm)

    return k(x)


def kernel(x):
    return _sc_gather(x)

# --- scband reference (transcript-rebuilt; emitter-appended) ---
"""Pipeline reference for scband-slice-module-6158983102974 (READ-ONLY COPY).

The authoritative reference and input builder live on the scoring server;
editing this copy changes nothing except your own understanding.
"""

import jax, jax.numpy as jnp
import numpy as np

VOCAB = 100000
EMBED_DIM = 128
N_IDX = 64
STRIDE = 1562


def setup_inputs(seed: int = 0) -> dict:
    key = jax.random.key(seed)
    x = jax.random.normal(key, (VOCAB, EMBED_DIM), dtype=jnp.float32)
    return {"x": x}


def reference(x):
    # SliceModule.forward: return x[self.indices]
    # indices were fixed at init: [0, 1562, 3124, ..., 98406] == arange(64) * 1562
    idx = jnp.arange(N_IDX, dtype=jnp.int32) * STRIDE
    return jnp.take(x, idx, axis=0)

if __name__ == "__main__":
    import jax
    _d = setup_inputs()
    print(jax.jit(kernel)(*tuple(_d.values())))

</pallas_src>

<mosaic_0001>
#map = affine_map<(d0) -> (0, 0)>
module attributes {stable_mosaic.version = 14 : i64} {
  func.func @k(%arg0: i32, %arg1: memref<100000x128xf32, #tpu.memory_space<hbm>>, %arg2: memref<64x128xf32, #tpu.memory_space<hbm>>, %arg3: memref<8x8x128xf32, #tpu.memory_space<vmem_shared>>, %arg4: memref<!tpu.dma_semaphore, #tpu.memory_space<semaphore_mem>>) attributes {dimension_semantics = [#tpu.dimension_semantics<core_parallel>], iteration_bounds = array<i64: 1>, scalar_prefetch = 0 : i64, scratch_operands = 2 : i64, tpu.core_type = #tpu.core_type<sc_scalar_subcore>, window_params = [{transform_indices = #map}, {transform_indices = #map}]} {
    %dma_start3A = arith.constant 0 : i32
    %dma_start3A_0 = arith.constant 0 : i32
    %dma_start3A_1 = arith.constant 0 : i32
    %dma_start3A_2 = tpu.memref_slice %arg3[%dma_start3A, %dma_start3A_0, %dma_start3A_1] : memref<8x8x128xf32, #tpu.memory_space<vmem_shared>> -> memref<8x1x128xf32, #tpu.memory_space<vmem_shared>>
    %dma_start3A_3 = arith.constant 0 : i32
    %dma_start3A_4 = arith.constant 0 : i32
    %dma_start3A_5 = tpu.memref_slice %arg1[%dma_start3A_3, %dma_start3A_4] : memref<100000x128xf32, #tpu.memory_space<hbm>> -> memref<99968x128xf32, #tpu.memory_space<hbm>>
    %dma_start3A_6 = tpu.memref_reshape %dma_start3A_5 : memref<99968x128xf32, #tpu.memory_space<hbm>> -> memref<8x12496x128xf32, #tpu.memory_space<hbm>>
    %dma_start3A_7 = arith.constant 0 : i32
    %dma_start3A_8 = arith.constant 0 : i32
    %dma_start3A_9 = arith.constant 0 : i32
    %dma_start3A_10 = tpu.memref_slice %dma_start3A_6[%dma_start3A_7, %dma_start3A_8, %dma_start3A_9] : memref<8x12496x128xf32, #tpu.memory_space<hbm>> -> memref<8x1x128xf32, #tpu.memory_space<hbm>>
    tpu.enqueue_dma source(%dma_start3A_10 : memref<8x1x128xf32, #tpu.memory_space<hbm>>) target(%dma_start3A_2 : memref<8x1x128xf32, #tpu.memory_space<vmem_shared>>) target_semaphore(%arg4 : memref<!tpu.dma_semaphore, #tpu.memory_space<semaphore_mem>>)
    %dma_start3A_11 = arith.constant 0 : i32
    %dma_start3A_12 = arith.constant 1 : i32
    %dma_start3A_13 = arith.constant 0 : i32
    %dma_start3A_14 = tpu.memref_slice %arg3[%dma_start3A_11, %dma_start3A_12, %dma_start3A_13] : memref<8x8x128xf32, #tpu.memory_space<vmem_shared>> -> memref<8x1x128xf32, #tpu.memory_space<vmem_shared>>
    %dma_start3A_15 = arith.constant 0 : i32
    %dma_start3A_16 = arith.constant 0 : i32
    %dma_start3A_17 = tpu.memref_slice %arg1[%dma_start3A_15, %dma_start3A_16] : memref<100000x128xf32, #tpu.memory_space<hbm>> -> memref<99968x128xf32, #tpu.memory_space<hbm>>
    %dma_start3A_18 = tpu.memref_reshape %dma_start3A_17 : memref<99968x128xf32, #tpu.memory_space<hbm>> -> memref<8x12496x128xf32, #tpu.memory_space<hbm>>
    %dma_start3A_19 = arith.constant 0 : i32
    %dma_start3A_20 = arith.constant 1562 : i32
    %dma_start3A_21 = arith.constant 0 : i32
    %dma_start3A_22 = tpu.memref_slice %dma_start3A_18[%dma_start3A_19, %dma_start3A_20, %dma_start3A_21] : memref<8x12496x128xf32, #tpu.memory_space<hbm>> -> memref<8x1x128xf32, #tpu.memory_space<hbm>>
    tpu.enqueue_dma source(%dma_start3A_22 : memref<8x1x128xf32, #tpu.memory_space<hbm>>) target(%dma_start3A_14 : memref<8x1x128xf32, #tpu.memory_space<vmem_shared>>) target_semaphore(%arg4 : memref<!tpu.dma_semaphore, #tpu.memory_space<semaphore_mem>>)
    %dma_start3A_23 = arith.constant 0 : i32
    %dma_start3A_24 = arith.constant 2 : i32
    %dma_start3A_25 = arith.constant 0 : i32
    %dma_start3A_26 = tpu.memref_slice %arg3[%dma_start3A_23, %dma_start3A_24, %dma_start3A_25] : memref<8x8x128xf32, #tpu.memory_space<vmem_shared>> -> memref<8x1x128xf32, #tpu.memory_space<vmem_shared>>
    %dma_start3A_27 = arith.constant 0 : i32
    %dma_start3A_28 = arith.constant 0 : i32
    %dma_start3A_29 = tpu.memref_slice %arg1[%dma_start3A_27, %dma_start3A_28] : memref<100000x128xf32, #tpu.memory_space<hbm>> -> memref<99968x128xf32, #tpu.memory_space<hbm>>
    %dma_start3A_30 = tpu.memref_reshape %dma_start3A_29 : memref<99968x128xf32, #tpu.memory_space<hbm>> -> memref<8x12496x128xf32, #tpu.memory_space<hbm>>
    %dma_start3A_31 = arith.constant 0 : i32
    %dma_start3A_32 = arith.constant 3124 : i32
    %dma_start3A_33 = arith.constant 0 : i32
    %dma_start3A_34 = tpu.memref_slice %dma_start3A_30[%dma_start3A_31, %dma_start3A_32, %dma_start3A_33] : memref<8x12496x128xf32, #tpu.memory_space<hbm>> -> memref<8x1x128xf32, #tpu.memory_space<hbm>>
    tpu.enqueue_dma source(%dma_start3A_34 : memref<8x1x128xf32, #tpu.memory_space<hbm>>) target(%dma_start3A_26 : memref<8x1x128xf32, #tpu.memory_space<vmem_shared>>) target_semaphore(%arg4 : memref<!tpu.dma_semaphore, #tpu.memory_space<semaphore_mem>>)
    %dma_start3A_35 = arith.constant 0 : i32
    %dma_start3A_36 = arith.constant 3 : i32
    %dma_start3A_37 = arith.constant 0 : i32
    %dma_start3A_38 = tpu.memref_slice %arg3[%dma_start3A_35, %dma_start3A_36, %dma_start3A_37] : memref<8x8x128xf32, #tpu.memory_space<vmem_shared>> -> memref<8x1x128xf32, #tpu.memory_space<vmem_shared>>
    %dma_start3A_39 = arith.constant 0 : i32
    %dma_start3A_40 = arith.constant 0 : i32
    %dma_start3A_41 = tpu.memref_slice %arg1[%dma_start3A_39, %dma_start3A_40] : memref<100000x128xf32, #tpu.memory_space<hbm>> -> memref<99968x128xf32, #tpu.memory_space<hbm>>
    %dma_start3A_42 = tpu.memref_reshape %dma_start3A_41 : memref<99968x128xf32, #tpu.memory_space<hbm>> -> memref<8x12496x128xf32, #tpu.memory_space<hbm>>
    %dma_start3A_43 = arith.constant 0 : i32
    %dma_start3A_44 = arith.constant 4686 : i32
    %dma_start3A_45 = arith.constant 0 : i32
    %dma_start3A_46 = tpu.memref_slice %dma_start3A_42[%dma_start3A_43, %dma_start3A_44, %dma_start3A_45] : memref<8x12496x128xf32, #tpu.memory_space<hbm>> -> memref<8x1x128xf32, #tpu.memory_space<hbm>>
    tpu.enqueue_dma source(%dma_start3A_46 : memref<8x1x128xf32, #tpu.memory_space<hbm>>) target(%dma_start3A_38 : memref<8x1x128xf32, #tpu.memory_space<vmem_shared>>) target_semaphore(%arg4 : memref<!tpu.dma_semaphore, #tpu.memory_space<semaphore_mem>>)
    %dma_start3A_47 = arith.constant 0 : i32
    %dma_start3A_48 = arith.constant 4 : i32
    %dma_start3A_49 = arith.constant 0 : i32
    %dma_start3A_50 = tpu.memref_slice %arg3[%dma_start3A_47, %dma_start3A_48, %dma_start3A_49] : memref<8x8x128xf32, #tpu.memory_space<vmem_shared>> -> memref<8x1x128xf32, #tpu.memory_space<vmem_shared>>
    %dma_start3A_51 = arith.constant 0 : i32
    %dma_start3A_52 = arith.constant 0 : i32
    %dma_start3A_53 = tpu.memref_slice %arg1[%dma_start3A_51, %dma_start3A_52] : memref<100000x128xf32, #tpu.memory_space<hbm>> -> memref<99968x128xf32, #tpu.memory_space<hbm>>
    %dma_start3A_54 = tpu.memref_reshape %dma_start3A_53 : memref<99968x128xf32, #tpu.memory_space<hbm>> -> memref<8x12496x128xf32, #tpu.memory_space<hbm>>
    %dma_start3A_55 = arith.constant 0 : i32
    %dma_start3A_56 = arith.constant 6248 : i32
    %dma_start3A_57 = arith.constant 0 : i32
    %dma_start3A_58 = tpu.memref_slice %dma_start3A_54[%dma_start3A_55, %dma_start3A_56, %dma_start3A_57] : memref<8x12496x128xf32, #tpu.memory_space<hbm>> -> memref<8x1x128xf32, #tpu.memory_space<hbm>>
    tpu.enqueue_dma source(%dma_start3A_58 : memref<8x1x128xf32, #tpu.memory_space<hbm>>) target(%dma_start3A_50 : memref<8x1x128xf32, #tpu.memory_space<vmem_shared>>) target_semaphore(%arg4 : memref<!tpu.dma_semaphore, #tpu.memory_space<semaphore_mem>>)
    %dma_start3A_59 = arith.constant 0 : i32
    %dma_start3A_60 = arith.constant 5 : i32
    %dma_start3A_61 = arith.constant 0 : i32
    %dma_start3A_62 = tpu.memref_slice %arg3[%dma_start3A_59, %dma_start3A_60, %dma_start3A_61] : memref<8x8x128xf32, #tpu.memory_space<vmem_shared>> -> memref<8x1x128xf32, #tpu.memory_space<vmem_shared>>
    %dma_start3A_63 = arith.constant 0 : i32
    %dma_start3A_64 = arith.constant 0 : i32
    %dma_start3A_65 = tpu.memref_slice %arg1[%dma_start3A_63, %dma_start3A_64] : memref<100000x128xf32, #tpu.memory_space<hbm>> -> memref<99968x128xf32, #tpu.memory_space<hbm>>
    %dma_start3A_66 = tpu.memref_reshape %dma_start3A_65 : memref<99968x128xf32, #tpu.memory_space<hbm>> -> memref<8x12496x128xf32, #tpu.memory_space<hbm>>
    %dma_start3A_67 = arith.constant 0 : i32
    %dma_start3A_68 = arith.constant 7810 : i32
    %dma_start3A_69 = arith.constant 0 : i32
    %dma_start3A_70 = tpu.memref_slice %dma_start3A_66[%dma_start3A_67, %dma_start3A_68, %dma_start3A_69] : memref<8x12496x128xf32, #tpu.memory_space<hbm>> -> memref<8x1x128xf32, #tpu.memory_space<hbm>>
    tpu.enqueue_dma source(%dma_start3A_70 : memref<8x1x128xf32, #tpu.memory_space<hbm>>) target(%dma_start3A_62 : memref<8x1x128xf32, #tpu.memory_space<vmem_shared>>) target_semaphore(%arg4 : memref<!tpu.dma_semaphore, #tpu.memory_space<semaphore_mem>>)
    %dma_start3A_71 = arith.constant 0 : i32
    %dma_start3A_72 = arith.constant 6 : i32
    %dma_start3A_73 = arith.constant 0 : i32
    %dma_start3A_74 = tpu.memref_slice %arg3[%dma_start3A_71, %dma_start3A_72, %dma_start3A_73] : memref<8x8x128xf32, #tpu.memory_space<vmem_shared>> -> memref<8x1x128xf32, #tpu.memory_space<vmem_shared>>
    %dma_start3A_75 = arith.constant 0 : i32
    %dma_start3A_76 = arith.constant 0 : i32
    %dma_start3A_77 = tpu.memref_slice %arg1[%dma_start3A_75, %dma_start3A_76] : memref<100000x128xf32, #tpu.memory_space<hbm>> -> memref<99968x128xf32, #tpu.memory_space<hbm>>
    %dma_start3A_78 = tpu.memref_reshape %dma_start3A_77 : memref<99968x128xf32, #tpu.memory_space<hbm>> -> memref<8x12496x128xf32, #tpu.memory_space<hbm>>
    %dma_start3A_79 = arith.constant 0 : i32
    %dma_start3A_80 = arith.constant 9372 : i32
    %dma_start3A_81 = arith.constant 0 : i32
    %dma_start3A_82 = tpu.memref_slice %dma_start3A_78[%dma_start3A_79, %dma_start3A_80, %dma_start3A_81] : memref<8x12496x128xf32, #tpu.memory_space<hbm>> -> memref<8x1x128xf32, #tpu.memory_space<hbm>>
    tpu.enqueue_dma source(%dma_start3A_82 : memref<8x1x128xf32, #tpu.memory_space<hbm>>) target(%dma_start3A_74 : memref<8x1x128xf32, #tpu.memory_space<vmem_shared>>) target_semaphore(%arg4 : memref<!tpu.dma_semaphore, #tpu.memory_space<semaphore_mem>>)
    %dma_start3A_83 = arith.constant 0 : i32
    %dma_start3A_84 = arith.constant 7 : i32
    %dma_start3A_85 = arith.constant 0 : i32
    %dma_start3A_86 = tpu.memref_slice %arg3[%dma_start3A_83, %dma_start3A_84, %dma_start3A_85] : memref<8x8x128xf32, #tpu.memory_space<vmem_shared>> -> memref<8x1x128xf32, #tpu.memory_space<vmem_shared>>
    %dma_start3A_87 = arith.constant 0 : i32
    %dma_start3A_88 = arith.constant 0 : i32
    %dma_start3A_89 = tpu.memref_slice %arg1[%dma_start3A_87, %dma_start3A_88] : memref<100000x128xf32, #tpu.memory_space<hbm>> -> memref<99968x128xf32, #tpu.memory_space<hbm>>
    %dma_start3A_90 = tpu.memref_reshape %dma_start3A_89 : memref<99968x128xf32, #tpu.memory_space<hbm>> -> memref<8x12496x128xf32, #tpu.memory_space<hbm>>
    %dma_start3A_91 = arith.constant 0 : i32
    %dma_start3A_92 = arith.constant 10934 : i32
    %dma_start3A_93 = arith.constant 0 : i32
    %dma_start3A_94 = tpu.memref_slice %dma_start3A_90[%dma_start3A_91, %dma_start3A_92, %dma_start3A_93] : memref<8x12496x128xf32, #tpu.memory_space<hbm>> -> memref<8x1x128xf32, #tpu.memory_space<hbm>>
    tpu.enqueue_dma source(%dma_start3A_94 : memref<8x1x128xf32, #tpu.memory_space<hbm>>) target(%dma_start3A_86 : memref<8x1x128xf32, #tpu.memory_space<vmem_shared>>) target_semaphore(%arg4 : memref<!tpu.dma_semaphore, #tpu.memory_space<semaphore_mem>>)
    %dma_wait3A = arith.constant 0 : i32
    %dma_wait3A_95 = arith.constant 0 : i32
    %dma_wait3A_96 = arith.constant 0 : i32
    %dma_wait3A_97 = tpu.memref_slice %arg3[%dma_wait3A, %dma_wait3A_95, %dma_wait3A_96] : memref<8x8x128xf32, #tpu.memory_space<vmem_shared>> -> memref<8x1x128xf32, #tpu.memory_space<vmem_shared>>
    %dma_wait3A_98 = arith.constant 0 : i32
    %dma_wait3A_99 = arith.constant 0 : i32
    %dma_wait3A_100 = tpu.memref_slice %arg1[%dma_wait3A_98, %dma_wait3A_99] : memref<100000x128xf32, #tpu.memory_space<hbm>> -> memref<99968x128xf32, #tpu.memory_space<hbm>>
    %dma_wait3A_101 = tpu.memref_reshape %dma_wait3A_100 : memref<99968x128xf32, #tpu.memory_space<hbm>> -> memref<8x12496x128xf32, #tpu.memory_space<hbm>>
    %dma_wait3A_102 = arith.constant 0 : i32
    %dma_wait3A_103 = arith.constant 0 : i32
    %dma_wait3A_104 = arith.constant 0 : i32
    %dma_wait3A_105 = tpu.memref_slice %dma_wait3A_101[%dma_wait3A_102, %dma_wait3A_103, %dma_wait3A_104] : memref<8x12496x128xf32, #tpu.memory_space<hbm>> -> memref<8x1x128xf32, #tpu.memory_space<hbm>>
    tpu.wait_dma2 semaphore(%arg4 : memref<!tpu.dma_semaphore, #tpu.memory_space<semaphore_mem>>) src(%dma_wait3A_105 : memref<8x1x128xf32, #tpu.memory_space<hbm>>) dst(%dma_wait3A_97 : memref<8x1x128xf32, #tpu.memory_space<vmem_shared>>)
    %dma_wait3A_106 = arith.constant 0 : i32
    %dma_wait3A_107 = arith.constant 1 : i32
    %dma_wait3A_108 = arith.constant 0 : i32
    %dma_wait3A_109 = tpu.memref_slice %arg3[%dma_wait3A_106, %dma_wait3A_107, %dma_wait3A_108] : memref<8x8x128xf32, #tpu.memory_space<vmem_shared>> -> memref<8x1x128xf32, #tpu.memory_space<vmem_shared>>
    %dma_wait3A_110 = arith.constant 0 : i32
    %dma_wait3A_111 = arith.constant 0 : i32
    %dma_wait3A_112 = tpu.memref_slice %arg1[%dma_wait3A_110, %dma_wait3A_111] : memref<100000x128xf32, #tpu.memory_space<hbm>> -> memref<99968x128xf32, #tpu.memory_space<hbm>>
    %dma_wait3A_113 = tpu.memref_reshape %dma_wait3A_112 : memref<99968x128xf32, #tpu.memory_space<hbm>> -> memref<8x12496x128xf32, #tpu.memory_space<hbm>>
    %dma_wait3A_114 = arith.constant 0 : i32
    %dma_wait3A_115 = arith.constant 1562 : i32
    %dma_wait3A_116 = arith.constant 0 : i32
    %dma_wait3A_117 = tpu.memref_slice %dma_wait3A_113[%dma_wait3A_114, %dma_wait3A_115, %dma_wait3A_116] : memref<8x12496x128xf32, #tpu.memory_space<hbm>> -> memref<8x1x128xf32, #tpu.memory_space<hbm>>
    tpu.wait_dma2 semaphore(%arg4 : memref<!tpu.dma_semaphore, #tpu.memory_space<semaphore_mem>>) src(%dma_wait3A_117 : memref<8x1x128xf32, #tpu.memory_space<hbm>>) dst(%dma_wait3A_109 : memref<8x1x128xf32, #tpu.memory_space<vmem_shared>>)
    %dma_wait3A_118 = arith.constant 0 : i32
    %dma_wait3A_119 = arith.constant 2 : i32
    %dma_wait3A_120 = arith.constant 0 : i32
    %dma_wait3A_121 = tpu.memref_slice %arg3[%dma_wait3A_118, %dma_wait3A_119, %dma_wait3A_120] : memref<8x8x128xf32, #tpu.memory_space<vmem_shared>> -> memref<8x1x128xf32, #tpu.memory_space<vmem_shared>>
    %dma_wait3A_122 = arith.constant 0 : i32
    %dma_wait3A_123 = arith.constant 0 : i32
    %dma_wait3A_124 = tpu.memref_slice %arg1[%dma_wait3A_122, %dma_wait3A_123] : memref<100000x128xf32, #tpu.memory_space<hbm>> -> memref<99968x128xf32, #tpu.memory_space<hbm>>
    %dma_wait3A_125 = tpu.memref_reshape %dma_wait3A_124 : memref<99968x128xf32, #tpu.memory_space<hbm>> -> memref<8x12496x128xf32, #tpu.memory_space<hbm>>
    %dma_wait3A_126 = arith.constant 0 : i32
    %dma_wait3A_127 = arith.constant 3124 : i32
    %dma_wait3A_128 = arith.constant 0 : i32
    %dma_wait3A_129 = tpu.memref_slice %dma_wait3A_125[%dma_wait3A_126, %dma_wait3A_127, %dma_wait3A_128] : memref<8x12496x128xf32, #tpu.memory_space<hbm>> -> memref<8x1x128xf32, #tpu.memory_space<hbm>>
    tpu.wait_dma2 semaphore(%arg4 : memref<!tpu.dma_semaphore, #tpu.memory_space<semaphore_mem>>) src(%dma_wait3A_129 : memref<8x1x128xf32, #tpu.memory_space<hbm>>) dst(%dma_wait3A_121 : memref<8x1x128xf32, #tpu.memory_space<vmem_shared>>)
    %dma_wait3A_130 = arith.constant 0 : i32
    %dma_wait3A_131 = arith.constant 3 : i32
    %dma_wait3A_132 = arith.constant 0 : i32
    %dma_wait3A_133 = tpu.memref_slice %arg3[%dma_wait3A_130, %dma_wait3A_131, %dma_wait3A_132] : memref<8x8x128xf32, #tpu.memory_space<vmem_shared>> -> memref<8x1x128xf32, #tpu.memory_space<vmem_shared>>
    %dma_wait3A_134 = arith.constant 0 : i32
    %dma_wait3A_135 = arith.constant 0 : i32
    %dma_wait3A_136 = tpu.memref_slice %arg1[%dma_wait3A_134, %dma_wait3A_135] : memref<100000x128xf32, #tpu.memory_space<hbm>> -> memref<99968x128xf32, #tpu.memory_space<hbm>>
    %dma_wait3A_137 = tpu.memref_reshape %dma_wait3A_136 : memref<99968x128xf32, #tpu.memory_space<hbm>> -> memref<8x12496x128xf32, #tpu.memory_space<hbm>>
    %dma_wait3A_138 = arith.constant 0 : i32
    %dma_wait3A_139 = arith.constant 4686 : i32
    %dma_wait3A_140 = arith.constant 0 : i32
    %dma_wait3A_141 = tpu.memref_slice %dma_wait3A_137[%dma_wait3A_138, %dma_wait3A_139, %dma_wait3A_140] : memref<8x12496x128xf32, #tpu.memory_space<hbm>> -> memref<8x1x128xf32, #tpu.memory_space<hbm>>
    tpu.wait_dma2 semaphore(%arg4 : memref<!tpu.dma_semaphore, #tpu.memory_space<semaphore_mem>>) src(%dma_wait3A_141 : memref<8x1x128xf32, #tpu.memory_space<hbm>>) dst(%dma_wait3A_133 : memref<8x1x128xf32, #tpu.memory_space<vmem_shared>>)
    %dma_wait3A_142 = arith.constant 0 : i32
    %dma_wait3A_143 = arith.constant 4 : i32
    %dma_wait3A_144 = arith.constant 0 : i32
    %dma_wait3A_145 = tpu.memref_slice %arg3[%dma_wait3A_142, %dma_wait3A_143, %dma_wait3A_144] : memref<8x8x128xf32, #tpu.memory_space<vmem_shared>> -> memref<8x1x128xf32, #tpu.memory_space<vmem_shared>>
    %dma_wait3A_146 = arith.constant 0 : i32
    %dma_wait3A_147 = arith.constant 0 : i32
    %dma_wait3A_148 = tpu.memref_slice %arg1[%dma_wait3A_146, %dma_wait3A_147] : memref<100000x128xf32, #tpu.memory_space<hbm>> -> memref<99968x128xf32, #tpu.memory_space<hbm>>
    %dma_wait3A_149 = tpu.memref_reshape %dma_wait3A_148 : memref<99968x128xf32, #tpu.memory_space<hbm>> -> memref<8x12496x128xf32, #tpu.memory_space<hbm>>
    %dma_wait3A_150 = arith.constant 0 : i32
    %dma_wait3A_151 = arith.constant 6248 : i32
    %dma_wait3A_152 = arith.constant 0 : i32
    %dma_wait3A_153 = tpu.memref_slice %dma_wait3A_149[%dma_wait3A_150, %dma_wait3A_151, %dma_wait3A_152] : memref<8x12496x128xf32, #tpu.memory_space<hbm>> -> memref<8x1x128xf32, #tpu.memory_space<hbm>>
    tpu.wait_dma2 semaphore(%arg4 : memref<!tpu.dma_semaphore, #tpu.memory_space<semaphore_mem>>) src(%dma_wait3A_153 : memref<8x1x128xf32, #tpu.memory_space<hbm>>) dst(%dma_wait3A_145 : memref<8x1x128xf32, #tpu.memory_space<vmem_shared>>)
    %dma_wait3A_154 = arith.constant 0 : i32
    %dma_wait3A_155 = arith.constant 5 : i32
    %dma_wait3A_156 = arith.constant 0 : i32
    %dma_wait3A_157 = tpu.memref_slice %arg3[%dma_wait3A_154, %dma_wait3A_155, %dma_wait3A_156] : memref<8x8x128xf32, #tpu.memory_space<vmem_shared>> -> memref<8x1x128xf32, #tpu.memory_space<vmem_shared>>
    %dma_wait3A_158 = arith.constant 0 : i32
    %dma_wait3A_159 = arith.constant 0 : i32
    %dma_wait3A_160 = tpu.memref_slice %arg1[%dma_wait3A_158, %dma_wait3A_159] : memref<100000x128xf32, #tpu.memory_space<hbm>> -> memref<99968x128xf32, #tpu.memory_space<hbm>>
    %dma_wait3A_161 = tpu.memref_reshape %dma_wait3A_160 : memref<99968x128xf32, #tpu.memory_space<hbm>> -> memref<8x12496x128xf32, #tpu.memory_space<hbm>>
    %dma_wait3A_162 = arith.constant 0 : i32
    %dma_wait3A_163 = arith.constant 7810 : i32
    %dma_wait3A_164 = arith.constant 0 : i32
    %dma_wait3A_165 = tpu.memref_slice %dma_wait3A_161[%dma_wait3A_162, %dma_wait3A_163, %dma_wait3A_164] : memref<8x12496x128xf32, #tpu.memory_space<hbm>> -> memref<8x1x128xf32, #tpu.memory_space<hbm>>
    tpu.wait_dma2 semaphore(%arg4 : memref<!tpu.dma_semaphore, #tpu.memory_space<semaphore_mem>>) src(%dma_wait3A_165 : memref<8x1x128xf32, #tpu.memory_space<hbm>>) dst(%dma_wait3A_157 : memref<8x1x128xf32, #tpu.memory_space<vmem_shared>>)
    %dma_wait3A_166 = arith.constant 0 : i32
    %dma_wait3A_167 = arith.constant 6 : i32
    %dma_wait3A_168 = arith.constant 0 : i32
    %dma_wait3A_169 = tpu.memref_slice %arg3[%dma_wait3A_166, %dma_wait3A_167, %dma_wait3A_168] : memref<8x8x128xf32, #tpu.memory_space<vmem_shared>> -> memref<8x1x128xf32, #tpu.memory_space<vmem_shared>>
    %dma_wait3A_170 = arith.constant 0 : i32
    %dma_wait3A_171 = arith.constant 0 : i32
    %dma_wait3A_172 = tpu.memref_slice %arg1[%dma_wait3A_170, %dma_wait3A_171] : memref<100000x128xf32, #tpu.memory_space<hbm>> -> memref<99968x128xf32, #tpu.memory_space<hbm>>
    %dma_wait3A_173 = tpu.memref_reshape %dma_wait3A_172 : memref<99968x128xf32, #tpu.memory_space<hbm>> -> memref<8x12496x128xf32, #tpu.memory_space<hbm>>
    %dma_wait3A_174 = arith.constant 0 : i32
    %dma_wait3A_175 = arith.constant 9372 : i32
    %dma_wait3A_176 = arith.constant 0 : i32
    %dma_wait3A_177 = tpu.memref_slice %dma_wait3A_173[%dma_wait3A_174, %dma_wait3A_175, %dma_wait3A_176] : memref<8x12496x128xf32, #tpu.memory_space<hbm>> -> memref<8x1x128xf32, #tpu.memory_space<hbm>>
    tpu.wait_dma2 semaphore(%arg4 : memref<!tpu.dma_semaphore, #tpu.memory_space<semaphore_mem>>) src(%dma_wait3A_177 : memref<8x1x128xf32, #tpu.memory_space<hbm>>) dst(%dma_wait3A_169 : memref<8x1x128xf32, #tpu.memory_space<vmem_shared>>)
    %dma_wait3A_178 = arith.constant 0 : i32
    %dma_wait3A_179 = arith.constant 7 : i32
    %dma_wait3A_180 = arith.constant 0 : i32
    %dma_wait3A_181 = tpu.memref_slice %arg3[%dma_wait3A_178, %dma_wait3A_179, %dma_wait3A_180] : memref<8x8x128xf32, #tpu.memory_space<vmem_shared>> -> memref<8x1x128xf32, #tpu.memory_space<vmem_shared>>
    %dma_wait3A_182 = arith.constant 0 : i32
    %dma_wait3A_183 = arith.constant 0 : i32
    %dma_wait3A_184 = tpu.memref_slice %arg1[%dma_wait3A_182, %dma_wait3A_183] : memref<100000x128xf32, #tpu.memory_space<hbm>> -> memref<99968x128xf32, #tpu.memory_space<hbm>>
    %dma_wait3A_185 = tpu.memref_reshape %dma_wait3A_184 : memref<99968x128xf32, #tpu.memory_space<hbm>> -> memref<8x12496x128xf32, #tpu.memory_space<hbm>>
    %dma_wait3A_186 = arith.constant 0 : i32
    %dma_wait3A_187 = arith.constant 10934 : i32
    %dma_wait3A_188 = arith.constant 0 : i32
    %dma_wait3A_189 = tpu.memref_slice %dma_wait3A_185[%dma_wait3A_186, %dma_wait3A_187, %dma_wait3A_188] : memref<8x12496x128xf32, #tpu.memory_space<hbm>> -> memref<8x1x128xf32, #tpu.memory_space<hbm>>
    tpu.wait_dma2 semaphore(%arg4 : memref<!tpu.dma_semaphore, #tpu.memory_space<semaphore_mem>>) src(%dma_wait3A_189 : memref<8x1x128xf32, #tpu.memory_space<hbm>>) dst(%dma_wait3A_181 : memref<8x1x128xf32, #tpu.memory_space<vmem_shared>>)
    "tpu.region"() ({
      %run_scoped3A = tpu.sem_alloc : memref<!tpu.dma_semaphore, #tpu.memory_space<semaphore_mem>>
      %dma_start3A_190 = tpu.memref_reshape %arg3 : memref<8x8x128xf32, #tpu.memory_space<vmem_shared>> -> memref<64x128xf32, #tpu.memory_space<vmem_shared>>
      tpu.enqueue_dma source(%dma_start3A_190 : memref<64x128xf32, #tpu.memory_space<vmem_shared>>) target(%arg2 : memref<64x128xf32, #tpu.memory_space<hbm>>) target_semaphore(%run_scoped3A : memref<!tpu.dma_semaphore, #tpu.memory_space<semaphore_mem>>)
      %dma_wait3A_191 = tpu.memref_reshape %arg3 : memref<8x8x128xf32, #tpu.memory_space<vmem_shared>> -> memref<64x128xf32, #tpu.memory_space<vmem_shared>>
      tpu.wait_dma2 semaphore(%run_scoped3A : memref<!tpu.dma_semaphore, #tpu.memory_space<semaphore_mem>>) src(%dma_wait3A_191 : memref<64x128xf32, #tpu.memory_space<vmem_shared>>) dst(%arg2 : memref<64x128xf32, #tpu.memory_space<hbm>>)
      tpu.yield
    }) : () -> ()
    return
  }
}

</mosaic_0001>

<sc_bundles>
// kernel: kernel.3.cloned.1.call-start
scs
__scs_entry_jumppad:
0x0: {  	(pc) =	sbr.rel $0x88, $3  }
0x1: {  	(tag) =	ssettag $0x0;
	lr =	simm.s32 $0x1  }
0x2: {  	[smem:$0x3FA0] =	sst lr;
	_ =	strace $0xD0000000  }
0x3: {  	_ = 	snop  }
0x4: {  	_ = 	snop  }
0x5: {  	_ = 	snop  }
0x6: {  	_ = 	snop  }
0x7: {  	_ = 	snop  }
__scs_overlays_trampoline_lowered:
0x8: {  	[smem:$0x3FAF] =	sst s0  }
0x9: {  	[smem:$0x3FB0] =	sst s1  }
0xa: {  	[smem:$0x3FB1] =	sst s2  }
0xb: {  	[smem:$0x3FB2] =	sst s3  }
0xc: {  	[smem:$0x3FB3] =	sst s4  }
0xd: {  	[smem:$0x3FB4] =	sst s5  }
0xe: {  	[smem:$0x3FB5] =	sst s6  }
0xf: {  	[smem:$0x3FB6] =	sst s7  }
0x10: {  	[smem:$0x3FB7] =	sst s8  }
0x11: {  	[smem:$0x3FB8] =	sst s9;
	s0 =	simm.s32 @!p0 $0x0  }
0x12: {  	s1 =	sld [smem:$0x3F9E];
	s0 =	simm.s32 @p0 $0x1  }
0x13: {  	[smem:$0x3FB9] =	sst s0;
	s0 =	simm.s32 @!p1 $0x0  }
0x14: {  	s2 =	sld [smem:$0x3F9D];
	s0 =	simm.s32 @p1 $0x1  }
0x15: {  	[smem:$0x3FBA] =	sst s0;
	s0 =	simm.s32 @!p2 $0x0  }
0x16: {  	s3 =	sld [smem:$0x3FDB];
	s0 =	simm.s32 @p2 $0x1  }
0x17: {  	s4 =	simm.s32 $0x1BF5;
	[smem:$0x3FBC] =	sst s0  }
0x18: {  	s0 =	sld [smem:$0x3F9F];
	_ =	swait.ge [sflag:s4], $0x0  }
0x19: {  	s7 =	sld [smem:$0x3FA0]  }
0x1a: {  	s8 =	sadd.s32 $0xFFFFE003, lr  }
0x1b: {  	s9 =	sadd.s32 $0xFFFFFEF7, lr;
	s5 =	simm.s32 $0xFFFFFFFF;
	p2 =	slt.u32 s8, $0xFFFFF086  }
0x1c: {  	p1 =	slt.u32 s9, $0xF7A;
	s5 =	simm.s32 @!p2 $0x0  }
0x1d: {  	s5 =	simm.s32 @p1 $0x1;
	p0 =	seq.s32 s7, s2  }
0x1e: {  	s7 =	smul.u32 @!p0 $0xF7A, s2;
	p2 =	seq.s32 @!p0 s5, $0x0  }
0x1f: {  	s9 =	smul.u32 $0xF7A, s1;
	s8 =	simm.s32 @!p0 $0x1BF5;
	p2 =	por !p2, p0  }
0x20: {  	[sflag:s8] =	ssyncset.s32 @!p0 $0xFFFFF086;
	s6 =	sadd.s32 @!p0 s3, s7;
	s7 =	simm.s32 @!p0 $0x108  }
0x21: {  	s3 =	sadd.s32 s3, s9;
	s6 =	sadd.s32 @!p0 $0x88, s6;
	s7 =	simm.s32 @p2 $0x1082  }
0x22: {  	[simem:s7], [sflag:s8] =	dma.local @!p0 [hbm:s6], $0xF7A  }
0x23: {  	s9 =	sor.u32 $0xD0000000, s2;
	s6 =	simm.s32 $0x108;
	_ =	swait.ge @!p0 [sflag:s8], $0x0  }
0x24: {  	s3 =	sadd.s32 $0x88, s3;
	s6 =	simm.s32 @!p1 $0x1082;
	[sflag:s4] =	ssyncset.s32 $0xFFFFF086  }
0x25: {  	[simem:s6], [sflag:s4] =	dma.local [hbm:s3], $0xF7A  }
0x26: {  	[smem:$0x3FA0] =	sst s1;
	(tag) =	ssettag s2;
	_ =	strace s9  }
0x27: {  	s1 =	sld [smem:$0x3FB0]  }
0x28: {  	s2 =	sld [smem:$0x3FB1]  }
0x29: {  	s4 =	sld [smem:$0x3FB3]  }
0x2a: {  	p0 =	seq.s32 s5, $0x0;
	s5 =	sld [smem:$0x3FB4]  }
0x2b: {  	s6 =	sld [smem:$0x3FB5]  }
0x2c: {  	s7 =	sld [smem:$0x3FB6]  }
0x2d: {  	s3 =	simm.s32 $0x108;
	s8 =	sld [smem:$0x3FB7]  }
0x2e: {  	s3 =	simm.s32 @!p0 $0x1082;
	s9 =	sld [smem:$0x3FB8]  }
0x2f: {  	lr =	sadd.s32 s0, s3;
	s0 =	sld [smem:$0x3FAF]  }
0x30: {  	s3 =	sld [smem:$0x3FB2]  }
0x31: {  	[smem:$0x3FBB] =	sst s10  }
0x32: {  	s10 =	sld [smem:$0x3FB9];
	_ =	sdelay $0x3  }
0x33: {  	p0 =	seq.s32 s10, $0x1;
	s10 =	sld [smem:$0x3FBB];
	_ =	sdelay $0x3  }
0x34: {  	[smem:$0x3FBB] =	sst s10  }
0x35: {  	s10 =	sld [smem:$0x3FBA];
	_ =	sdelay $0x3  }
0x36: {  	p1 =	seq.s32 s10, $0x1;
	s10 =	sld [smem:$0x3FBB];
	_ =	sdelay $0x3  }
0x37: {  	[smem:$0x3FBB] =	sst s10  }
0x38: {  	s10 =	sld [smem:$0x3FBC]  }
0x39: {  	_ = 	snop;
	(pc) =	sbr.ind lr, $3  }
0x3a: {  	_ = 	snop  }
0x3b: {  	_ = 	snop  }
0x3c: {  	p2 =	seq.s32 s10, $0x1;
	s10 =	sld [smem:$0x3FBB]  }
0x3d: {  	_ =	shalt  }
0x3e: {  	_ =	shalt  }
0x3f: {  	_ =	shalt  }
0x40: {  	_ =	shalt  }
0x41: {  	_ =	shalt  }
0x42: {  	_ =	shalt  }
0x43: {  	_ =	shalt  }
0x44: {  	_ =	shalt  }
0x45: {  	_ =	shalt  }
0x46: {  	_ =	shalt  }
0x47: {  	_ =	shalt  }
0x48: {  	_ =	shalt  }
0x49: {  	_ =	shalt  }
0x4a: {  	_ =	shalt  }
0x4b: {  	_ =	shalt  }
0x4c: {  	_ =	shalt  }
0x4d: {  	_ =	shalt  }
0x4e: {  	_ =	shalt  }
0x4f: {  	_ =	shalt  }
0x50: {  	_ =	shalt  }
0x51: {  	_ =	shalt  }
0x52: {  	_ =	shalt  }
0x53: {  	_ =	shalt  }
0x54: {  	_ =	shalt  }
0x55: {  	_ =	shalt  }
0x56: {  	_ =	shalt  }
0x57: {  	_ =	shalt  }
0x58: {  	_ =	shalt  }
0x59: {  	_ =	shalt  }
0x5a: {  	_ =	shalt  }
0x5b: {  	_ =	shalt  }
0x5c: {  	_ =	shalt  }
0x5d: {  	_ =	shalt  }
0x5e: {  	_ =	shalt  }
0x5f: {  	_ =	shalt  }
0x60: {  	_ =	shalt  }
0x61: {  	_ =	shalt  }
0x62: {  	_ =	shalt  }
0x63: {  	_ =	shalt  }
0x64: {  	_ =	shalt  }
0x65: {  	_ =	shalt  }
0x66: {  	_ =	shalt  }
0x67: {  	_ =	shalt  }
0x68: {  	_ =	shalt  }
0x69: {  	_ =	shalt  }
0x6a: {  	_ =	shalt  }
0x6b: {  	_ =	shalt  }
0x6c: {  	_ =	shalt  }
0x6d: {  	_ =	shalt  }
0x6e: {  	_ =	shalt  }
0x6f: {  	_ =	shalt  }
0x70: {  	_ =	shalt  }
0x71: {  	_ =	shalt  }
0x72: {  	_ =	shalt  }
0x73: {  	_ =	shalt  }
0x74: {  	_ =	shalt  }
0x75: {  	_ =	shalt  }
0x76: {  	_ =	shalt  }
0x77: {  	_ =	shalt  }
0x78: {  	_ =	shalt  }
0x79: {  	_ =	shalt  }
0x7a: {  	_ =	shalt  }
0x7b: {  	_ =	shalt  }
0x7c: {  	_ =	shalt  }
0x7d: {  	_ =	shalt  }
0x7e: {  	_ =	shalt  }
0x7f: {  	_ =	shalt  }
0x80: {  	_ =	shalt  }
0x81: {  	_ =	shalt  }
0x82: {  	_ =	shalt  }
0x83: {  	_ =	shalt  }
0x84: {  	_ =	shalt  }
0x85: {  	_ =	shalt  }
0x86: {  	_ =	shalt  }
0x87: {  	_ =	shalt  }
.Lfunc_end0:
.L_simem_size_0:
called_computation_lowered:
.L_overlay_start_0:
0x88: {  	s0 =	sld [smem:$0x3FD9]  }
0x89: {  	s1 =	sld [smem:$0x3FFE];
	_ =	sdelay $0x3  }
0x8a: {  	s0 =	sadd.s32 s1, s0  }
0x8b: {  	s11 =	simm.s32 $0x0;
	[smem:$0x3FC7] =	sst s0  }
0x8c: {  	[smem:$0xF] =	sst s11  }
0x8d: {  	s2 =	sld [smem:$0x3FC9]  }
0x8e: {  	s0 =	sld [smem:$0x3FD0];
	(tm) =	ssettm $0x1  }
0x8f: {  	s3 =	sld [smem:$0x3FFB];
	_ =	sdelay $0x3  }
0x90: {  	_ =	strace s3  }
0x91: {  	s3 =	sld [smem:$0x3FFC];
	_ =	sdelay $0x3  }
0x92: {  	_ =	strace s3  }
0x93: {  	s3 =	sld [smem:$0x3FFD];
	_ =	sdelay $0x2  }
0x94: {  	s12 =	simm.s32 $0x1B8B;
	s13 =	simm.s32 $0x1B8E;
	s14 =	simm.s32 $0x1  }
0x95: {  	s4 =	simm.s32 $0x80;
	s5 =	simm.s32 $0x30D00;
	_ =	strace s3  }
0x96: {  	s6 =	simm.s32 $0x9;
	s8 =	simm.s32 $0x10;
	_ =	strace $0x8FFFFFFF  }
0x97: {  	s16 =	simm.s32 $0x20;
	s18 =	simm.s32 $0x30;
	_ =	swait.ge [sflag:s12], $0x1  }
0x98: {  	s20 =	simm.s32 $0x40;
	s22 =	simm.s32 $0x50;
	[sflag:s12] =	ssyncset.done $0x0  }
0x99: {  	s24 =	simm.s32 $0x60;
	s25 =	simm.s32 $0x70;
	[sflag:s12] =	ssyncadd.s32 $0xFFFFFFFF  }
0x9a: {  	s7 =	sadd.s32 $0x61A0, s2;
	s15 =	sadd.s32 $0xC340, s2;
	[smem:$0x3FD2] =	sst s13  }
0x9b: {  	s17 =	sadd.s32 $0x124E0, s2;
	s19 =	sadd.s32 $0x18680, s2;
	_ =	strace $0x80000046  }
0x9c: {  	[spmem:s11@s4], [sflag:s6] =	dma.strided [hbm:s2@s5], $0x80, s14, $0x10   }
0x9d: {  	s21 =	sadd.s32 $0x1E820, s2;
	s23 =	sadd.s32 $0x249C0, s2;
	s2 =	sadd.s32 $0x2AB60, s2  }
0x9e: {  	[spmem:s8@s4], [sflag:s6] =	dma.strided [hbm:s7@s5], $0x80, s14, $0x10   }
0x9f: {  	[spmem:s16@s4], [sflag:s6] =	dma.strided [hbm:s15@s5], $0x80, s14, $0x10   }
0xa0: {  	[spmem:s18@s4], [sflag:s6] =	dma.strided [hbm:s17@s5], $0x80, s14, $0x10   }
0xa1: {  	[spmem:s20@s4], [sflag:s6] =	dma.strided [hbm:s19@s5], $0x80, s14, $0x10   }
0xa2: {  	[spmem:s22@s4], [sflag:s6] =	dma.strided [hbm:s21@s5], $0x80, s14, $0x10   }
0xa3: {  	[spmem:s24@s4], [sflag:s6] =	dma.strided [hbm:s23@s5], $0x80, s14, $0x10   }
0xa4: {  	[spmem:s25@s4], [sflag:s6] =	dma.strided [hbm:s2@s5], $0x80, s14, $0x10   }
0xa5: {  	_ =	swait.ge [sflag:s6], $0x80  }
0xa6: {  	[sflag:s6] =	ssyncset.done $0x0  }
0xa7: {  	[sflag:s6] =	ssyncadd.s32 $0xFFFFFF80;
	_ =	sdelay $0x2  }
0xa8: {  	_ =	swait.ge [sflag:s6], $0x80  }
0xa9: {  	[sflag:s6] =	ssyncset.done $0x0  }
0xaa: {  	[sflag:s6] =	ssyncadd.s32 $0xFFFFFF80;
	_ =	sdelay $0x2  }
0xab: {  	_ =	swait.ge [sflag:s6], $0x80  }
0xac: {  	[sflag:s6] =	ssyncset.done $0x0  }
0xad: {  	[sflag:s6] =	ssyncadd.s32 $0xFFFFFF80;
	_ =	sdelay $0x2  }
0xae: {  	_ =	swait.ge [sflag:s6], $0x80  }
0xaf: {  	[sflag:s6] =	ssyncset.done $0x0  }
0xb0: {  	[sflag:s6] =	ssyncadd.s32 $0xFFFFFF80;
	_ =	sdelay $0x2  }
0xb1: {  	_ =	swait.ge [sflag:s6], $0x80  }
0xb2: {  	[sflag:s6] =	ssyncset.done $0x0  }
0xb3: {  	[sflag:s6] =	ssyncadd.s32 $0xFFFFFF80;
	_ =	sdelay $0x2  }
0xb4: {  	_ =	swait.ge [sflag:s6], $0x80  }
0xb5: {  	[sflag:s6] =	ssyncset.done $0x0  }
0xb6: {  	[sflag:s6] =	ssyncadd.s32 $0xFFFFFF80;
	_ =	sdelay $0x2  }
0xb7: {  	_ =	swait.ge [sflag:s6], $0x80  }
0xb8: {  	[sflag:s6] =	ssyncset.done $0x0  }
0xb9: {  	[sflag:s6] =	ssyncadd.s32 $0xFFFFFF80;
	_ =	sdelay $0x2  }
0xba: {  	_ =	swait.ge [sflag:s6], $0x80  }
0xbb: {  	[sflag:s6] =	ssyncset.done $0x0  }
0xbc: {  	[sflag:s6] =	ssyncadd.s32 $0xFFFFFF80  }
0xbd: {  	s26 =	simm.s32 $0xA  }
0xbe: {  	[hbm:s0], [sflag:s26] =	dma.local [spmem:s11], $0x400  }
0xbf: {  	_ =	swait.ge [sflag:s26], $0x400  }
0xc0: {  	[sflag:s26] =	ssyncset.done $0x0  }
0xc1: {  	[sflag:s26] =	ssyncadd.s32 $0xFFFFFC00  }
0xc2: {  	_ =	strace $0x90000046  }
0xc3: {  	_ =	sfence  }
0xc4: {  	s28 =	sld [smem:$0x0];
	_ =	sdelay $0x1  }
0xc5: {  	s29 =	srdreg.scid  }
0xc6: {  	s30 =	sshll.u32 s29, $0xD;
	s31 =	sshrl.u32 s29, $0x2  }
0xc7: {  	s1 =	sand.u32 $0x1, s29;
	s2 =	sand.u32 $0x4000, s30;
	s0 =	sadd.s32 s31, s28  }
0xc8: {  	s1 =	sor.u32 s2, s1;
	s0 =	sshll.u32 s0, $0x11  }
0xc9: {  	s0 =	sor.u32 s0, s1  }
0xca: {  	s0 =	sadd.s32 $0x8F2B, s0;
	(pc) =	sbr.abs _section_cstart, $3  }
0xcb: {  	[sflag:s0] =	ssyncadd.remote.s32 $0x1  }
0xcc: {  	_ =	strace $0x9FFFFFFF  }
0xcd: {  	(tm) =	ssettm $0x7FFFFFFF  }

</sc_bundles>
